<compile_context>
chip_gen: v7x
topology: tpu7x:2x2x1
jax: 0.10.2.dev20260603
libtpu: 0.0.44.dev20260713+nightly
codegen_flags: <defaults>
</compile_context>

<pallas_src>
import functools

import jax
import jax.numpy as jnp
import numpy as np
from jax import lax
from jax.experimental import pallas as pl
from jax.experimental.pallas import tpu as pltpu
from jax.experimental.pallas import tpu_sc as plsc

_S = 30
_C = 2 * _S + 1
_N = 1048576
_NW = 32
_COLS_W = _N // _NW
_R = 512
_CHUNKS = _COLS_W // _R
_MAGIC = np.int32(0x5F3759DF)


def _transform(xv):
    ax = jnp.abs(xv)
    y = ax + 1.0
    i = lax.bitcast_convert_type(y, jnp.int32)
    r = lax.bitcast_convert_type(
        _MAGIC - lax.shift_right_arithmetic(i, 1), jnp.float32
    )
    for _ in range(3):
        r = r * (1.5 - 0.5 * y * r * r)
    s = y * r
    h = jnp.sign(xv) * (s - 1.0) + 1e-3 * xv
    return jnp.clip(h, -float(_S), float(_S)) + float(_S)


def _body(x_hbm, out_hbm, xbuf, tile, sem):
    wid = lax.axis_index("s") * 2 + lax.axis_index("c")
    base = wid * _COLS_W
    pltpu.sync_copy(x_hbm.at[pl.ds(base, _COLS_W)], xbuf)

    zeros16 = jnp.zeros((16,), jnp.float32)
    lane = lax.iota(jnp.int32, 16)

    def chunk(c, carry):
        def zplane(p, cc):
            for j in range(_R // 16):
                tile[p, pl.ds(j * 16, 16)] = zeros16
            return cc

        lax.fori_loop(0, _C, zplane, 0)

        def group(g, cc):
            xv = xbuf[pl.ds(c * _R + g * 16, 16)]
            t = _transform(xv)
            fi = t.astype(jnp.int32)
            tf = t - fi.astype(jnp.float32)
            colv = g * 16 + lane
            plsc.store_scatter(tile, [fi, colv], 1.0 - tf)
            plsc.store_scatter(tile, [fi + 1, colv], tf, mask=fi < (_C - 1))
            return cc

        lax.fori_loop(0, _R // 16, group, 0)

        pltpu.sync_copy(tile, out_hbm.at[:, pl.ds(base + c * _R, _R)])
        return carry

    lax.fori_loop(0, _CHUNKS, chunk, 0)


def kernel(x):
    mesh = plsc.VectorSubcoreMesh(core_axis_name="c", subcore_axis_name="s")
    f = functools.partial(
        pl.kernel,
        mesh=mesh,
        compiler_params=pltpu.CompilerParams(needs_layout_passes=False),
        out_type=jax.ShapeDtypeStruct((_C, _N), jnp.float32),
        scratch_types=[
            pltpu.VMEM((_COLS_W,), jnp.float32),
            pltpu.VMEM((_C, _R), jnp.float32),
            pltpu.SemaphoreType.DMA,
        ],
    )(_body)
    return f(x).T

# --- scband reference (transcript-rebuilt; emitter-appended) ---
"""Pipeline reference for scband-agent-42314017800223 (READ-ONLY COPY).

The authoritative reference and input builder live on the scoring server;
editing this copy changes nothing except your own understanding.
"""

import jax, jax.numpy as jnp
import numpy as np

SUPPORT_SIZE = 30
EPS = 1e-3


def setup_inputs(seed: int = 0) -> dict:
    key = jax.random.key(seed)
    # scale so values span the full support range after the sqrt contraction
    x = jax.random.normal(key, (1048576,), dtype=jnp.float32) * 50.0
    return {"x": x}


def reference(x):
    S = SUPPORT_SIZE
    # contractive transform h(x) = sign(x)*(sqrt(|x|+1)-1) + eps*x
    h = jnp.sign(x) * (jnp.sqrt(jnp.abs(x) + 1.0) - 1.0) + EPS * x
    h = jnp.clip(h, -float(S), float(S))
    floor = jnp.floor(h)
    under = h - floor
    floor_prob = 1.0 - under
    under_prob = under
    floor_index = (floor + S).astype(jnp.int32)
    under_index_f = floor + S + 1.0
    mask = under_index_f > (2 * S)
    under_prob = jnp.where(mask, 0.0, under_prob)
    under_index = jnp.where(mask, 0, under_index_f.astype(jnp.int32))
    n = x.shape[0]
    logits = jnp.zeros((n, 2 * S + 1), dtype=jnp.float32)
    rows = jnp.arange(n)
    # scatter-overwrite, matching torch Tensor.scatter_ semantics
    logits = logits.at[rows, floor_index].set(floor_prob)
    logits = logits.at[rows, under_index].set(under_prob)
    return logits

if __name__ == "__main__":
    import jax
    _d = setup_inputs()
    print(jax.jit(kernel)(*tuple(_d.values())))

</pallas_src>

<mosaic_0001>
#map = affine_map<(d0, d1) -> (0)>
#map1 = affine_map<(d0, d1) -> (0, 0)>
module attributes {stable_mosaic.version = 14 : i64} {
  func.func @_body(%arg0: i32, %arg1: i32, %arg2: memref<1048576xf32, #tpu.memory_space<hbm>>, %arg3: memref<61x1048576xf32, #tpu.memory_space<hbm>>, %arg4: memref<32768xf32, #tpu.memory_space<vmem>>, %arg5: memref<61x512xf32, #tpu.memory_space<vmem>>, %arg6: memref<!tpu.dma_semaphore, #tpu.memory_space<semaphore_mem>>) attributes {dimension_semantics = [#tpu.dimension_semantics<core_parallel>, #tpu.dimension_semantics<subcore_parallel>], iteration_bounds = array<i64: 2, 16>, scalar_prefetch = 0 : i64, scratch_operands = 3 : i64, tpu.core_type = #tpu.core_type<sc_vector_subcore>, window_params = [{transform_indices = #map}, {transform_indices = #map1}]} {
    %mul3A = arith.constant 2 : i32
    %mul3A_0 = arith.muli %arg1, %mul3A : i32
    %add3A = arith.addi %mul3A_0, %arg0 : i32
    %mul3A_1 = arith.constant 32768 : i32
    %mul3A_2 = arith.muli %add3A, %mul3A_1 : i32
    "tpu.region"() ({
      %run_scoped3A = tpu.sem_alloc : memref<!tpu.dma_semaphore, #tpu.memory_space<semaphore_mem>>
      %dma_start3A = tpu.memref_slice %arg2[%mul3A_2] : memref<1048576xf32, #tpu.memory_space<hbm>> -> memref<32768xf32, #tpu.memory_space<hbm>>
      %dma_start3A_9 = tpu.memref_slice %arg2[%mul3A_2] : memref<1048576xf32, #tpu.memory_space<hbm>> -> memref<32768xf32, #tpu.memory_space<hbm>>
      tpu.enqueue_dma source(%dma_start3A_9 : memref<32768xf32, #tpu.memory_space<hbm>>) target(%arg4 : memref<32768xf32, #tpu.memory_space<vmem>>) target_semaphore(%run_scoped3A : memref<!tpu.dma_semaphore, #tpu.memory_space<semaphore_mem>>)
      %dma_wait3A = tpu.memref_slice %arg2[%mul3A_2] : memref<1048576xf32, #tpu.memory_space<hbm>> -> memref<32768xf32, #tpu.memory_space<hbm>>
      %dma_wait3A_10 = tpu.memref_slice %arg2[%mul3A_2] : memref<1048576xf32, #tpu.memory_space<hbm>> -> memref<32768xf32, #tpu.memory_space<hbm>>
      tpu.wait_dma2 semaphore(%run_scoped3A : memref<!tpu.dma_semaphore, #tpu.memory_space<semaphore_mem>>) src(%dma_wait3A_10 : memref<32768xf32, #tpu.memory_space<hbm>>) dst(%arg4 : memref<32768xf32, #tpu.memory_space<vmem>>)
      tpu.yield
    }) : () -> ()
    %broadcast_in_dim3A = arith.constant 0.000000e+00 : f32
    %broadcast_in_dim3A_3 = vector.broadcast %broadcast_in_dim3A : f32 to vector<16xf32>
    %iota3A = tpu.iota {dimensions = array<i32: 0>} : vector<16xi32>
    %scan3A = arith.constant 0 : i32
    %scan3A_4 = arith.constant 0 : i32
    %scan3A_5 = arith.constant 64 : i32
    %scan3A_6 = arith.addi %scan3A_4, %scan3A_5 : i32
    %scan3A_7 = arith.constant 1 : i32
    scf.for %scan3A_9 = %scan3A_4 to %scan3A_6 step %scan3A_7  : i32 {
      %scan3A_10 = arith.constant 0 : i32
      %scan3A_11 = arith.constant 0 : i32
      %scan3A_12 = arith.constant 61 : i32
      %scan3A_13 = arith.addi %scan3A_11, %scan3A_12 : i32
      %scan3A_14 = arith.constant 1 : i32
      scf.for %scan3A_25 = %scan3A_11 to %scan3A_13 step %scan3A_14  : i32 {
        %swap3A = arith.index_cast %scan3A_25 : i32 to index
        %swap3A_26 = arith.constant 0 : index
        %swap3A_27 = tpu.vector_load %arg5[%swap3A, %swap3A_26] {strides = array<i32>} : memref<61x512xf32, #tpu.memory_space<vmem>>, vector<16xf32>,
        tpu.vector_store %arg5[%swap3A, %swap3A_26], %broadcast_in_dim3A_3 {strides = array<i32>} : memref<61x512xf32, #tpu.memory_space<vmem>>, vector<16xf32>,
        %swap3A_28 = arith.index_cast %scan3A_25 : i32 to index
        %swap3A_29 = arith.constant 16 : index
        %swap3A_30 = tpu.vector_load %arg5[%swap3A_28, %swap3A_29] {strides = array<i32>} : memref<61x512xf32, #tpu.memory_space<vmem>>, vector<16xf32>,
        tpu.vector_store %arg5[%swap3A_28, %swap3A_29], %broadcast_in_dim3A_3 {strides = array<i32>} : memref<61x512xf32, #tpu.memory_space<vmem>>, vector<16xf32>,
        %swap3A_31 = arith.index_cast %scan3A_25 : i32 to index
        %swap3A_32 = arith.constant 32 : index
        %swap3A_33 = tpu.vector_load %arg5[%swap3A_31, %swap3A_32] {strides = array<i32>} : memref<61x512xf32, #tpu.memory_space<vmem>>, vector<16xf32>,
        tpu.vector_store %arg5[%swap3A_31, %swap3A_32], %broadcast_in_dim3A_3 {strides = array<i32>} : memref<61x512xf32, #tpu.memory_space<vmem>>, vector<16xf32>,
        %swap3A_34 = arith.index_cast %scan3A_25 : i32 to index
        %swap3A_35 = arith.constant 48 : index
        %swap3A_36 = tpu.vector_load %arg5[%swap3A_34, %swap3A_35] {strides = array<i32>} : memref<61x512xf32, #tpu.memory_space<vmem>>, vector<16xf32>,
        tpu.vector_store %arg5[%swap3A_34, %swap3A_35], %broadcast_in_dim3A_3 {strides = array<i32>} : memref<61x512xf32, #tpu.memory_space<vmem>>, vector<16xf32>,
        %swap3A_37 = arith.index_cast %scan3A_25 : i32 to index
        %swap3A_38 = arith.constant 64 : index
        %swap3A_39 = tpu.vector_load %arg5[%swap3A_37, %swap3A_38] {strides = array<i32>} : memref<61x512xf32, #tpu.memory_space<vmem>>, vector<16xf32>,
        tpu.vector_store %arg5[%swap3A_37, %swap3A_38], %broadcast_in_dim3A_3 {strides = array<i32>} : memref<61x512xf32, #tpu.memory_space<vmem>>, vector<16xf32>,
        %swap3A_40 = arith.index_cast %scan3A_25 : i32 to index
        %swap3A_41 = arith.constant 80 : index
        %swap3A_42 = tpu.vector_load %arg5[%swap3A_40, %swap3A_41] {strides = array<i32>} : memref<61x512xf32, #tpu.memory_space<vmem>>, vector<16xf32>,
        tpu.vector_store %arg5[%swap3A_40, %swap3A_41], %broadcast_in_dim3A_3 {strides = array<i32>} : memref<61x512xf32, #tpu.memory_space<vmem>>, vector<16xf32>,
        %swap3A_43 = arith.index_cast %scan3A_25 : i32 to index
        %swap3A_44 = arith.constant 96 : index
        %swap3A_45 = tpu.vector_load %arg5[%swap3A_43, %swap3A_44] {strides = array<i32>} : memref<61x512xf32, #tpu.memory_space<vmem>>, vector<16xf32>,
        tpu.vector_store %arg5[%swap3A_43, %swap3A_44], %broadcast_in_dim3A_3 {strides = array<i32>} : memref<61x512xf32, #tpu.memory_space<vmem>>, vector<16xf32>,
        %swap3A_46 = arith.index_cast %scan3A_25 : i32 to index
        %swap3A_47 = arith.constant 112 : index
        %swap3A_48 = tpu.vector_load %arg5[%swap3A_46, %swap3A_47] {strides = array<i32>} : memref<61x512xf32, #tpu.memory_space<vmem>>, vector<16xf32>,
        tpu.vector_store %arg5[%swap3A_46, %swap3A_47], %broadcast_in_dim3A_3 {strides = array<i32>} : memref<61x512xf32, #tpu.memory_space<vmem>>, vector<16xf32>,
        %swap3A_49 = arith.index_cast %scan3A_25 : i32 to index
        %swap3A_50 = arith.constant 128 : index
        %swap3A_51 = tpu.vector_load %arg5[%swap3A_49, %swap3A_50] {strides = array<i32>} : memref<61x512xf32, #tpu.memory_space<vmem>>, vector<16xf32>,
        tpu.vector_store %arg5[%swap3A_49, %swap3A_50], %broadcast_in_dim3A_3 {strides = array<i32>} : memref<61x512xf32, #tpu.memory_space<vmem>>, vector<16xf32>,
        %swap3A_52 = arith.index_cast %scan3A_25 : i32 to index
        %swap3A_53 = arith.constant 144 : index
        %swap3A_54 = tpu.vector_load %arg5[%swap3A_52, %swap3A_53] {strides = array<i32>} : memref<61x512xf32, #tpu.memory_space<vmem>>, vector<16xf32>,
        tpu.vector_store %arg5[%swap3A_52, %swap3A_53], %broadcast_in_dim3A_3 {strides = array<i32>} : memref<61x512xf32, #tpu.memory_space<vmem>>, vector<16xf32>,
        %swap3A_55 = arith.index_cast %scan3A_25 : i32 to index
        %swap3A_56 = arith.constant 160 : index
        %swap3A_57 = tpu.vector_load %arg5[%swap3A_55, %swap3A_56] {strides = array<i32>} : memref<61x512xf32, #tpu.memory_space<vmem>>, vector<16xf32>,
        tpu.vector_store %arg5[%swap3A_55, %swap3A_56], %broadcast_in_dim3A_3 {strides = array<i32>} : memref<61x512xf32, #tpu.memory_space<vmem>>, vector<16xf32>,
        %swap3A_58 = arith.index_cast %scan3A_25 : i32 to index
        %swap3A_59 = arith.constant 176 : index
        %swap3A_60 = tpu.vector_load %arg5[%swap3A_58, %swap3A_59] {strides = array<i32>} : memref<61x512xf32, #tpu.memory_space<vmem>>, vector<16xf32>,
        tpu.vector_store %arg5[%swap3A_58, %swap3A_59], %broadcast_in_dim3A_3 {strides = array<i32>} : memref<61x512xf32, #tpu.memory_space<vmem>>, vector<16xf32>,
        %swap3A_61 = arith.index_cast %scan3A_25 : i32 to index
        %swap3A_62 = arith.constant 192 : index
        %swap3A_63 = tpu.vector_load %arg5[%swap3A_61, %swap3A_62] {strides = array<i32>} : memref<61x512xf32, #tpu.memory_space<vmem>>, vector<16xf32>,
        tpu.vector_store %arg5[%swap3A_61, %swap3A_62], %broadcast_in_dim3A_3 {strides = array<i32>} : memref<61x512xf32, #tpu.memory_space<vmem>>, vector<16xf32>,
        %swap3A_64 = arith.index_cast %scan3A_25 : i32 to index
        %swap3A_65 = arith.constant 208 : index
        %swap3A_66 = tpu.vector_load %arg5[%swap3A_64, %swap3A_65] {strides = array<i32>} : memref<61x512xf32, #tpu.memory_space<vmem>>, vector<16xf32>,
        tpu.vector_store %arg5[%swap3A_64, %swap3A_65], %broadcast_in_dim3A_3 {strides = array<i32>} : memref<61x512xf32, #tpu.memory_space<vmem>>, vector<16xf32>,
        %swap3A_67 = arith.index_cast %scan3A_25 : i32 to index
        %swap3A_68 = arith.constant 224 : index
        %swap3A_69 = tpu.vector_load %arg5[%swap3A_67, %swap3A_68] {strides = array<i32>} : memref<61x512xf32, #tpu.memory_space<vmem>>, vector<16xf32>,
        tpu.vector_store %arg5[%swap3A_67, %swap3A_68], %broadcast_in_dim3A_3 {strides = array<i32>} : memref<61x512xf32, #tpu.memory_space<vmem>>, vector<16xf32>,
        %swap3A_70 = arith.index_cast %scan3A_25 : i32 to index
        %swap3A_71 = arith.constant 240 : index
        %swap3A_72 = tpu.vector_load %arg5[%swap3A_70, %swap3A_71] {strides = array<i32>} : memref<61x512xf32, #tpu.memory_space<vmem>>, vector<16xf32>,
        tpu.vector_store %arg5[%swap3A_70, %swap3A_71], %broadcast_in_dim3A_3 {strides = array<i32>} : memref<61x512xf32, #tpu.memory_space<vmem>>, vector<16xf32>,
        %swap3A_73 = arith.index_cast %scan3A_25 : i32 to index
        %swap3A_74 = arith.constant 256 : index
        %swap3A_75 = tpu.vector_load %arg5[%swap3A_73, %swap3A_74] {strides = array<i32>} : memref<61x512xf32, #tpu.memory_space<vmem>>, vector<16xf32>,
        tpu.vector_store %arg5[%swap3A_73, %swap3A_74], %broadcast_in_dim3A_3 {strides = array<i32>} : memref<61x512xf32, #tpu.memory_space<vmem>>, vector<16xf32>,
        %swap3A_76 = arith.index_cast %scan3A_25 : i32 to index
        %swap3A_77 = arith.constant 272 : index
        %swap3A_78 = tpu.vector_load %arg5[%swap3A_76, %swap3A_77] {strides = array<i32>} : memref<61x512xf32, #tpu.memory_space<vmem>>, vector<16xf32>,
        tpu.vector_store %arg5[%swap3A_76, %swap3A_77], %broadcast_in_dim3A_3 {strides = array<i32>} : memref<61x512xf32, #tpu.memory_space<vmem>>, vector<16xf32>,
        %swap3A_79 = arith.index_cast %scan3A_25 : i32 to index
        %swap3A_80 = arith.constant 288 : index
        %swap3A_81 = tpu.vector_load %arg5[%swap3A_79, %swap3A_80] {strides = array<i32>} : memref<61x512xf32, #tpu.memory_space<vmem>>, vector<16xf32>,
        tpu.vector_store %arg5[%swap3A_79, %swap3A_80], %broadcast_in_dim3A_3 {strides = array<i32>} : memref<61x512xf32, #tpu.memory_space<vmem>>, vector<16xf32>,
        %swap3A_82 = arith.index_cast %scan3A_25 : i32 to index
        %swap3A_83 = arith.constant 304 : index
        %swap3A_84 = tpu.vector_load %arg5[%swap3A_82, %swap3A_83] {strides = array<i32>} : memref<61x512xf32, #tpu.memory_space<vmem>>, vector<16xf32>,
        tpu.vector_store %arg5[%swap3A_82, %swap3A_83], %broadcast_in_dim3A_3 {strides = array<i32>} : memref<61x512xf32, #tpu.memory_space<vmem>>, vector<16xf32>,
        %swap3A_85 = arith.index_cast %scan3A_25 : i32 to index
        %swap3A_86 = arith.constant 320 : index
        %swap3A_87 = tpu.vector_load %arg5[%swap3A_85, %swap3A_86] {strides = array<i32>} : memref<61x512xf32, #tpu.memory_space<vmem>>, vector<16xf32>,
        tpu.vector_store %arg5[%swap3A_85, %swap3A_86], %broadcast_in_dim3A_3 {strides = array<i32>} : memref<61x512xf32, #tpu.memory_space<vmem>>, vector<16xf32>,
        %swap3A_88 = arith.index_cast %scan3A_25 : i32 to index
        %swap3A_89 = arith.constant 336 : index
        %swap3A_90 = tpu.vector_load %arg5[%swap3A_88, %swap3A_89] {strides = array<i32>} : memref<61x512xf32, #tpu.memory_space<vmem>>, vector<16xf32>,
        tpu.vector_store %arg5[%swap3A_88, %swap3A_89], %broadcast_in_dim3A_3 {strides = array<i32>} : memref<61x512xf32, #tpu.memory_space<vmem>>, vector<16xf32>,
        %swap3A_91 = arith.index_cast %scan3A_25 : i32 to index
        %swap3A_92 = arith.constant 352 : index
        %swap3A_93 = tpu.vector_load %arg5[%swap3A_91, %swap3A_92] {strides = array<i32>} : memref<61x512xf32, #tpu.memory_space<vmem>>, vector<16xf32>,
        tpu.vector_store %arg5[%swap3A_91, %swap3A_92], %broadcast_in_dim3A_3 {strides = array<i32>} : memref<61x512xf32, #tpu.memory_space<vmem>>, vector<16xf32>,
        %swap3A_94 = arith.index_cast %scan3A_25 : i32 to index
        %swap3A_95 = arith.constant 368 : index
        %swap3A_96 = tpu.vector_load %arg5[%swap3A_94, %swap3A_95] {strides = array<i32>} : memref<61x512xf32, #tpu.memory_space<vmem>>, vector<16xf32>,
        tpu.vector_store %arg5[%swap3A_94, %swap3A_95], %broadcast_in_dim3A_3 {strides = array<i32>} : memref<61x512xf32, #tpu.memory_space<vmem>>, vector<16xf32>,
        %swap3A_97 = arith.index_cast %scan3A_25 : i32 to index
        %swap3A_98 = arith.constant 384 : index
        %swap3A_99 = tpu.vector_load %arg5[%swap3A_97, %swap3A_98] {strides = array<i32>} : memref<61x512xf32, #tpu.memory_space<vmem>>, vector<16xf32>,
        tpu.vector_store %arg5[%swap3A_97, %swap3A_98], %broadcast_in_dim3A_3 {strides = array<i32>} : memref<61x512xf32, #tpu.memory_space<vmem>>, vector<16xf32>,
        %swap3A_100 = arith.index_cast %scan3A_25 : i32 to index
        %swap3A_101 = arith.constant 400 : index
        %swap3A_102 = tpu.vector_load %arg5[%swap3A_100, %swap3A_101] {strides = array<i32>} : memref<61x512xf32, #tpu.memory_space<vmem>>, vector<16xf32>,
        tpu.vector_store %arg5[%swap3A_100, %swap3A_101], %broadcast_in_dim3A_3 {strides = array<i32>} : memref<61x512xf32, #tpu.memory_space<vmem>>, vector<16xf32>,
        %swap3A_103 = arith.index_cast %scan3A_25 : i32 to index
        %swap3A_104 = arith.constant 416 : index
        %swap3A_105 = tpu.vector_load %arg5[%swap3A_103, %swap3A_104] {strides = array<i32>} : memref<61x512xf32, #tpu.memory_space<vmem>>, vector<16xf32>,
        tpu.vector_store %arg5[%swap3A_103, %swap3A_104], %broadcast_in_dim3A_3 {strides = array<i32>} : memref<61x512xf32, #tpu.memory_space<vmem>>, vector<16xf32>,
        %swap3A_106 = arith.index_cast %scan3A_25 : i32 to index
        %swap3A_107 = arith.constant 432 : index
        %swap3A_108 = tpu.vector_load %arg5[%swap3A_106, %swap3A_107] {strides = array<i32>} : memref<61x512xf32, #tpu.memory_space<vmem>>, vector<16xf32>,
        tpu.vector_store %arg5[%swap3A_106, %swap3A_107], %broadcast_in_dim3A_3 {strides = array<i32>} : memref<61x512xf32, #tpu.memory_space<vmem>>, vector<16xf32>,
        %swap3A_109 = arith.index_cast %scan3A_25 : i32 to index
        %swap3A_110 = arith.constant 448 : index
        %swap3A_111 = tpu.vector_load %arg5[%swap3A_109, %swap3A_110] {strides = array<i32>} : memref<61x512xf32, #tpu.memory_space<vmem>>, vector<16xf32>,
        tpu.vector_store %arg5[%swap3A_109, %swap3A_110], %broadcast_in_dim3A_3 {strides = array<i32>} : memref<61x512xf32, #tpu.memory_space<vmem>>, vector<16xf32>,
        %swap3A_112 = arith.index_cast %scan3A_25 : i32 to index
        %swap3A_113 = arith.constant 464 : index
        %swap3A_114 = tpu.vector_load %arg5[%swap3A_112, %swap3A_113] {strides = array<i32>} : memref<61x512xf32, #tpu.memory_space<vmem>>, vector<16xf32>,
        tpu.vector_store %arg5[%swap3A_112, %swap3A_113], %broadcast_in_dim3A_3 {strides = array<i32>} : memref<61x512xf32, #tpu.memory_space<vmem>>, vector<16xf32>,
        %swap3A_115 = arith.index_cast %scan3A_25 : i32 to index
        %swap3A_116 = arith.constant 480 : index
        %swap3A_117 = tpu.vector_load %arg5[%swap3A_115, %swap3A_116] {strides = array<i32>} : memref<61x512xf32, #tpu.memory_space<vmem>>, vector<16xf32>,
        tpu.vector_store %arg5[%swap3A_115, %swap3A_116], %broadcast_in_dim3A_3 {strides = array<i32>} : memref<61x512xf32, #tpu.memory_space<vmem>>, vector<16xf32>,
        %swap3A_118 = arith.index_cast %scan3A_25 : i32 to index
        %swap3A_119 = arith.constant 496 : index
        %swap3A_120 = tpu.vector_load %arg5[%swap3A_118, %swap3A_119] {strides = array<i32>} : memref<61x512xf32, #tpu.memory_space<vmem>>, vector<16xf32>,
        tpu.vector_store %arg5[%swap3A_118, %swap3A_119], %broadcast_in_dim3A_3 {strides = array<i32>} : memref<61x512xf32, #tpu.memory_space<vmem>>, vector<16xf32>,
      }
      %scan3A_15 = arith.constant 61 : i32
      %scan3A_16 = arith.constant 0 : i32
      %scan3A_17 = arith.constant 0 : i32
      %scan3A_18 = arith.constant 32 : i32
      %scan3A_19 = arith.addi %scan3A_17, %scan3A_18 : i32
      %scan3A_20 = arith.constant 1 : i32
      scf.for %scan3A_25 = %scan3A_17 to %scan3A_19 step %scan3A_20  : i32 {
        %mul3A_26 = arith.constant 512 : i32
        %mul3A_27 = arith.muli %scan3A_9, %mul3A_26 : i32
        %mul3A_28 = arith.constant 16 : i32
        %mul3A_29 = arith.muli %scan3A_25, %mul3A_28 : i32
        %add3A_30 = arith.addi %mul3A_27, %mul3A_29 : i32
        %get3A = arith.index_cast %add3A_30 : i32 to index
        %get3A_31 = tpu.vector_load %arg4[%get3A] {strides = array<i32>} : memref<32768xf32, #tpu.memory_space<vmem>>, vector<16xf32>,
        %abs3A = math.absf %get3A_31 : vector<16xf32>
        %add3A_32 = arith.constant 1.000000e+00 : f32
        %add3A_33 = vector.broadcast %add3A_32 : f32 to vector<16xf32>
        %add3A_34 = arith.addf %abs3A, %add3A_33 : vector<16xf32>
        %bitcast_convert_type3A = tpu.bitcast %add3A_34 : vector<16xf32> -> vector<16xi32>
        %shift_right_arithmetic3A = arith.constant 1 : i32
        %shift_right_arithmetic3A_35 = vector.broadcast %shift_right_arithmetic3A : i32 to vector<16xi32>
        %shift_right_arithmetic3A_36 = arith.shrsi %bitcast_convert_type3A, %shift_right_arithmetic3A_35 : vector<16xi32>
        %sub3A = arith.constant 1597463007 : i32
        %sub3A_37 = vector.broadcast %sub3A : i32 to vector<16xi32>
        %sub3A_38 = arith.subi %sub3A_37, %shift_right_arithmetic3A_36 : vector<16xi32>
        %bitcast_convert_type3A_39 = tpu.bitcast %sub3A_38 : vector<16xi32> -> vector<16xf32>
        %mul3A_40 = arith.constant 5.000000e-01 : f32
        %mul3A_41 = vector.broadcast %mul3A_40 : f32 to vector<16xf32>
        %mul3A_42 = arith.mulf %mul3A_41, %add3A_34 : vector<16xf32>
        %mul3A_43 = arith.mulf %mul3A_42, %bitcast_convert_type3A_39 : vector<16xf32>
        %mul3A_44 = arith.mulf %mul3A_43, %bitcast_convert_type3A_39 : vector<16xf32>
        %sub3A_45 = arith.constant 1.500000e+00 : f32
        %sub3A_46 = vector.broadcast %sub3A_45 : f32 to vector<16xf32>
        %sub3A_47 = arith.subf %sub3A_46, %mul3A_44 : vector<16xf32>
        %mul3A_48 = arith.mulf %bitcast_convert_type3A_39, %sub3A_47 : vector<16xf32>
        %mul3A_49 = arith.constant 5.000000e-01 : f32
        %mul3A_50 = vector.broadcast %mul3A_49 : f32 to vector<16xf32>
        %mul3A_51 = arith.mulf %mul3A_50, %add3A_34 : vector<16xf32>
        %mul3A_52 = arith.mulf %mul3A_51, %mul3A_48 : vector<16xf32>
        %mul3A_53 = arith.mulf %mul3A_52, %mul3A_48 : vector<16xf32>
        %sub3A_54 = arith.constant 1.500000e+00 : f32
        %sub3A_55 = vector.broadcast %sub3A_54 : f32 to vector<16xf32>
        %sub3A_56 = arith.subf %sub3A_55, %mul3A_53 : vector<16xf32>
        %mul3A_57 = arith.mulf %mul3A_48, %sub3A_56 : vector<16xf32>
        %mul3A_58 = arith.constant 5.000000e-01 : f32
        %mul3A_59 = vector.broadcast %mul3A_58 : f32 to vector<16xf32>
        %mul3A_60 = arith.mulf %mul3A_59, %add3A_34 : vector<16xf32>
        %mul3A_61 = arith.mulf %mul3A_60, %mul3A_57 : vector<16xf32>
        %mul3A_62 = arith.mulf %mul3A_61, %mul3A_57 : vector<16xf32>
        %sub3A_63 = arith.constant 1.500000e+00 : f32
        %sub3A_64 = vector.broadcast %sub3A_63 : f32 to vector<16xf32>
        %sub3A_65 = arith.subf %sub3A_64, %mul3A_62 : vector<16xf32>
        %mul3A_66 = arith.mulf %mul3A_57, %sub3A_65 : vector<16xf32>
        %mul3A_67 = arith.mulf %add3A_34, %mul3A_66 : vector<16xf32>
        %sign3A = tpu.bitcast %get3A_31 : vector<16xf32> -> vector<16xi32>
        %sign3A_68 = arith.constant -2147483648 : i32
        %sign3A_69 = vector.broadcast %sign3A_68 : i32 to vector<16xi32>
        %sign3A_70 = arith.andi %sign3A, %sign3A_69 : vector<16xi32>
        %sign3A_71 = arith.constant 1065353216 : i32
        %sign3A_72 = vector.broadcast %sign3A_71 : i32 to vector<16xi32>
        %sign3A_73 = arith.ori %sign3A_72, %sign3A_70 : vector<16xi32>
        %sign3A_74 = tpu.bitcast %sign3A_73 : vector<16xi32> -> vector<16xf32>
        %sign3A_75 = math.absf %get3A_31 : vector<16xf32>
        %sign3A_76 = arith.constant 0.000000e+00 : f32
        %sign3A_77 = vector.broadcast %sign3A_76 : f32 to vector<16xf32>
        %sign3A_78 = arith.cmpf ogt, %sign3A_75, %sign3A_77 : vector<16xf32>
        %sign3A_79 = arith.select %sign3A_78, %sign3A_74, %get3A_31 : vector<16xi1>, vector<16xf32>
        %sub3A_80 = arith.constant 1.000000e+00 : f32
        %sub3A_81 = vector.broadcast %sub3A_80 : f32 to vector<16xf32>
        %sub3A_82 = arith.subf %mul3A_67, %sub3A_81 : vector<16xf32>
        %mul3A_83 = arith.mulf %sign3A_79, %sub3A_82 : vector<16xf32>
        %mul3A_84 = arith.constant 1.000000e-03 : f32
        %mul3A_85 = vector.broadcast %mul3A_84 : f32 to vector<16xf32>
        %mul3A_86 = arith.mulf %mul3A_85, %get3A_31 : vector<16xf32>
        %add3A_87 = arith.addf %mul3A_83, %mul3A_86 : vector<16xf32>
        %jit3A = arith.constant -3.000000e+01 : f32
        %jit3A_88 = arith.constant 3.000000e+01 : f32
        %max3A = vector.broadcast %jit3A : f32 to vector<16xf32>
        %max3A_89 = arith.maximumf %max3A, %add3A_87 : vector<16xf32>
        %min3A = vector.broadcast %jit3A_88 : f32 to vector<16xf32>
        %min3A_90 = arith.minimumf %min3A, %max3A_89 : vector<16xf32>
        %add3A_91 = arith.constant 3.000000e+01 : f32
        %add3A_92 = vector.broadcast %add3A_91 : f32 to vector<16xf32>
        %add3A_93 = arith.addf %min3A_90, %add3A_92 : vector<16xf32>
        %convert_element_type3A = arith.fptosi %add3A_93 : vector<16xf32> to vector<16xi32>
        %convert_element_type3A_94 = arith.sitofp %convert_element_type3A : vector<16xi32> to vector<16xf32>
        %sub3A_95 = arith.subf %add3A_93, %convert_element_type3A_94 : vector<16xf32>
        %mul3A_96 = arith.constant 16 : i32
        %mul3A_97 = arith.muli %scan3A_25, %mul3A_96 : i32
        %add3A_98 = vector.broadcast %mul3A_97 : i32 to vector<16xi32>
        %add3A_99 = arith.addi %add3A_98, %iota3A : vector<16xi32>
        %sub3A_100 = arith.constant 1.000000e+00 : f32
        %sub3A_101 = vector.broadcast %sub3A_100 : f32 to vector<16xf32>
        %sub3A_102 = arith.subf %sub3A_101, %sub3A_95 : vector<16xf32>
        tpu.vector_store_idx %arg5[%convert_element_type3A, %add3A_99], %sub3A_102 : memref<61x512xf32, #tpu.memory_space<vmem>>[vector<16xi32>, vector<16xi32>], vector<16xf32>,
        %add3A_103 = arith.constant 1 : i32
        %add3A_104 = vector.broadcast %add3A_103 : i32 to vector<16xi32>
        %add3A_105 = arith.addi %convert_element_type3A, %add3A_104 : vector<16xi32>
        %lt3A = arith.constant 60 : i32
        %lt3A_106 = vector.broadcast %lt3A : i32 to vector<16xi32>
        %lt3A_107 = arith.cmpi slt, %convert_element_type3A, %lt3A_106 : vector<16xi32>
        tpu.vector_store_idx %arg5[%add3A_105, %add3A_99], %sub3A_95 masked %lt3A_107 : memref<61x512xf32, #tpu.memory_space<vmem>>[vector<16xi32>, vector<16xi32>], vector<16xf32>, vector<16xi1>
      }
      %scan3A_21 = arith.constant 32 : i32
      %mul3A_22 = arith.constant 512 : i32
      %mul3A_23 = arith.muli %scan3A_9, %mul3A_22 : i32
      %add3A_24 = arith.addi %mul3A_2, %mul3A_23 : i32
      "tpu.region"() ({
        %run_scoped3A = tpu.sem_alloc : memref<!tpu.dma_semaphore, #tpu.memory_space<semaphore_mem>>
        %dma_start3A = arith.constant 0 : i32
        %dma_start3A_25 = tpu.memref_slice %arg3[%dma_start3A, %add3A_24] : memref<61x1048576xf32, #tpu.memory_space<hbm>> -> memref<61x512xf32, #tpu.memory_space<hbm>>
        %dma_start3A_26 = arith.constant 0 : i32
        %dma_start3A_27 = tpu.memref_slice %arg3[%dma_start3A_26, %add3A_24] : memref<61x1048576xf32, #tpu.memory_space<hbm>> -> memref<61x512xf32, #tpu.memory_space<hbm>>
        tpu.enqueue_dma source(%arg5 : memref<61x512xf32, #tpu.memory_space<vmem>>) target(%dma_start3A_27 : memref<61x512xf32, #tpu.memory_space<hbm>>) target_semaphore(%run_scoped3A : memref<!tpu.dma_semaphore, #tpu.memory_space<semaphore_mem>>)
        %dma_wait3A = arith.constant 0 : i32
        %dma_wait3A_28 = tpu.memref_slice %arg3[%dma_wait3A, %add3A_24] : memref<61x1048576xf32, #tpu.memory_space<hbm>> -> memref<61x512xf32, #tpu.memory_space<hbm>>
        %dma_wait3A_29 = arith.constant 0 : i32
        %dma_wait3A_30 = tpu.memref_slice %arg3[%dma_wait3A_29, %add3A_24] : memref<61x1048576xf32, #tpu.memory_space<hbm>> -> memref<61x512xf32, #tpu.memory_space<hbm>>
        tpu.wait_dma2 semaphore(%run_scoped3A : memref<!tpu.dma_semaphore, #tpu.memory_space<semaphore_mem>>) src(%arg5 : memref<61x512xf32, #tpu.memory_space<vmem>>) dst(%dma_wait3A_30 : memref<61x512xf32, #tpu.memory_space<hbm>>)
        tpu.yield
      }) : () -> ()
    }
    %scan3A_8 = arith.constant 64 : i32
    return
  }
}

</mosaic_0001>

<sc_bundles>
// kernel: kernel.3.cloned.1.call-start
scs
__scs_entry_jumppad:
0x0: {  	(pc) =	sbr.rel $0x88, $3  }
0x1: {  	(tag) =	ssettag $0x0;
	lr =	simm.s32 $0x1  }
0x2: {  	[smem:$0x3FA0] =	sst lr;
	_ =	strace $0xD0000000  }
0x3: {  	_ = 	snop  }
0x4: {  	_ = 	snop  }
0x5: {  	_ = 	snop  }
0x6: {  	_ = 	snop  }
0x7: {  	_ = 	snop  }
__scs_overlays_trampoline_lowered:
0x8: {  	[smem:$0x3FAF] =	sst s0  }
0x9: {  	[smem:$0x3FB0] =	sst s1  }
0xa: {  	[smem:$0x3FB1] =	sst s2  }
0xb: {  	[smem:$0x3FB2] =	sst s3  }
0xc: {  	[smem:$0x3FB3] =	sst s4  }
0xd: {  	[smem:$0x3FB4] =	sst s5  }
0xe: {  	[smem:$0x3FB5] =	sst s6  }
0xf: {  	[smem:$0x3FB6] =	sst s7  }
0x10: {  	[smem:$0x3FB7] =	sst s8  }
0x11: {  	[smem:$0x3FB8] =	sst s9;
	s0 =	simm.s32 @!p0 $0x0  }
0x12: {  	s1 =	sld [smem:$0x3F9E];
	s0 =	simm.s32 @p0 $0x1  }
0x13: {  	[smem:$0x3FB9] =	sst s0;
	s0 =	simm.s32 @!p1 $0x0  }
0x14: {  	s2 =	sld [smem:$0x3F9D];
	s0 =	simm.s32 @p1 $0x1  }
0x15: {  	[smem:$0x3FBA] =	sst s0;
	s0 =	simm.s32 @!p2 $0x0  }
0x16: {  	s3 =	sld [smem:$0x3FDB];
	s0 =	simm.s32 @p2 $0x1  }
0x17: {  	s4 =	simm.s32 $0x1BF5;
	[smem:$0x3FBC] =	sst s0  }
0x18: {  	s0 =	sld [smem:$0x3F9F];
	_ =	swait.ge [sflag:s4], $0x0  }
0x19: {  	s7 =	sld [smem:$0x3FA0]  }
0x1a: {  	s8 =	sadd.s32 $0xFFFFE003, lr  }
0x1b: {  	s9 =	sadd.s32 $0xFFFFFEF7, lr;
	s5 =	simm.s32 $0xFFFFFFFF;
	p2 =	slt.u32 s8, $0xFFFFF086  }
0x1c: {  	p1 =	slt.u32 s9, $0xF7A;
	s5 =	simm.s32 @!p2 $0x0  }
0x1d: {  	s5 =	simm.s32 @p1 $0x1;
	p0 =	seq.s32 s7, s2  }
0x1e: {  	s7 =	smul.u32 @!p0 $0xF7A, s2;
	p2 =	seq.s32 @!p0 s5, $0x0  }
0x1f: {  	s9 =	smul.u32 $0xF7A, s1;
	s8 =	simm.s32 @!p0 $0x1BF5;
	p2 =	por !p2, p0  }
0x20: {  	[sflag:s8] =	ssyncset.s32 @!p0 $0xFFFFF086;
	s6 =	sadd.s32 @!p0 s3, s7;
	s7 =	simm.s32 @!p0 $0x108  }
0x21: {  	s3 =	sadd.s32 s3, s9;
	s6 =	sadd.s32 @!p0 $0x88, s6;
	s7 =	simm.s32 @p2 $0x1082  }
0x22: {  	[simem:s7], [sflag:s8] =	dma.local @!p0 [hbm:s6], $0xF7A  }
0x23: {  	s9 =	sor.u32 $0xD0000000, s2;
	s6 =	simm.s32 $0x108;
	_ =	swait.ge @!p0 [sflag:s8], $0x0  }
0x24: {  	s3 =	sadd.s32 $0x88, s3;
	s6 =	simm.s32 @!p1 $0x1082;
	[sflag:s4] =	ssyncset.s32 $0xFFFFF086  }
0x25: {  	[simem:s6], [sflag:s4] =	dma.local [hbm:s3], $0xF7A  }
0x26: {  	[smem:$0x3FA0] =	sst s1;
	(tag) =	ssettag s2;
	_ =	strace s9  }
0x27: {  	s1 =	sld [smem:$0x3FB0]  }
0x28: {  	s2 =	sld [smem:$0x3FB1]  }
0x29: {  	s4 =	sld [smem:$0x3FB3]  }
0x2a: {  	p0 =	seq.s32 s5, $0x0;
	s5 =	sld [smem:$0x3FB4]  }
0x2b: {  	s6 =	sld [smem:$0x3FB5]  }
0x2c: {  	s7 =	sld [smem:$0x3FB6]  }
0x2d: {  	s3 =	simm.s32 $0x108;
	s8 =	sld [smem:$0x3FB7]  }
0x2e: {  	s3 =	simm.s32 @!p0 $0x1082;
	s9 =	sld [smem:$0x3FB8]  }
0x2f: {  	lr =	sadd.s32 s0, s3;
	s0 =	sld [smem:$0x3FAF]  }
0x30: {  	s3 =	sld [smem:$0x3FB2]  }
0x31: {  	[smem:$0x3FBB] =	sst s10  }
0x32: {  	s10 =	sld [smem:$0x3FB9];
	_ =	sdelay $0x3  }
0x33: {  	p0 =	seq.s32 s10, $0x1;
	s10 =	sld [smem:$0x3FBB];
	_ =	sdelay $0x3  }
0x34: {  	[smem:$0x3FBB] =	sst s10  }
0x35: {  	s10 =	sld [smem:$0x3FBA];
	_ =	sdelay $0x3  }
0x36: {  	p1 =	seq.s32 s10, $0x1;
	s10 =	sld [smem:$0x3FBB];
	_ =	sdelay $0x3  }
0x37: {  	[smem:$0x3FBB] =	sst s10  }
0x38: {  	s10 =	sld [smem:$0x3FBC]  }
0x39: {  	_ = 	snop;
	(pc) =	sbr.ind lr, $3  }
0x3a: {  	_ = 	snop  }
0x3b: {  	_ = 	snop  }
0x3c: {  	p2 =	seq.s32 s10, $0x1;
	s10 =	sld [smem:$0x3FBB]  }
0x3d: {  	_ =	shalt  }
0x3e: {  	_ =	shalt  }
0x3f: {  	_ =	shalt  }
0x40: {  	_ =	shalt  }
0x41: {  	_ =	shalt  }
0x42: {  	_ =	shalt  }
0x43: {  	_ =	shalt  }
0x44: {  	_ =	shalt  }
0x45: {  	_ =	shalt  }
0x46: {  	_ =	shalt  }
0x47: {  	_ =	shalt  }
0x48: {  	_ =	shalt  }
0x49: {  	_ =	shalt  }
0x4a: {  	_ =	shalt  }
0x4b: {  	_ =	shalt  }
0x4c: {  	_ =	shalt  }
0x4d: {  	_ =	shalt  }
0x4e: {  	_ =	shalt  }
0x4f: {  	_ =	shalt  }
0x50: {  	_ =	shalt  }
0x51: {  	_ =	shalt  }
0x52: {  	_ =	shalt  }
0x53: {  	_ =	shalt  }
0x54: {  	_ =	shalt  }
0x55: {  	_ =	shalt  }
0x56: {  	_ =	shalt  }
0x57: {  	_ =	shalt  }
0x58: {  	_ =	shalt  }
0x59: {  	_ =	shalt  }
0x5a: {  	_ =	shalt  }
0x5b: {  	_ =	shalt  }
0x5c: {  	_ =	shalt  }
0x5d: {  	_ =	shalt  }
0x5e: {  	_ =	shalt  }
0x5f: {  	_ =	shalt  }
0x60: {  	_ =	shalt  }
0x61: {  	_ =	shalt  }
0x62: {  	_ =	shalt  }
0x63: {  	_ =	shalt  }
0x64: {  	_ =	shalt  }
0x65: {  	_ =	shalt  }
0x66: {  	_ =	shalt  }
0x67: {  	_ =	shalt  }
0x68: {  	_ =	shalt  }
0x69: {  	_ =	shalt  }
0x6a: {  	_ =	shalt  }
0x6b: {  	_ =	shalt  }
0x6c: {  	_ =	shalt  }
0x6d: {  	_ =	shalt  }
0x6e: {  	_ =	shalt  }
0x6f: {  	_ =	shalt  }
0x70: {  	_ =	shalt  }
0x71: {  	_ =	shalt  }
0x72: {  	_ =	shalt  }
0x73: {  	_ =	shalt  }
0x74: {  	_ =	shalt  }
0x75: {  	_ =	shalt  }
0x76: {  	_ =	shalt  }
0x77: {  	_ =	shalt  }
0x78: {  	_ =	shalt  }
0x79: {  	_ =	shalt  }
0x7a: {  	_ =	shalt  }
0x7b: {  	_ =	shalt  }
0x7c: {  	_ =	shalt  }
0x7d: {  	_ =	shalt  }
0x7e: {  	_ =	shalt  }
0x7f: {  	_ =	shalt  }
0x80: {  	_ =	shalt  }
0x81: {  	_ =	shalt  }
0x82: {  	_ =	shalt  }
0x83: {  	_ =	shalt  }
0x84: {  	_ =	shalt  }
0x85: {  	_ =	shalt  }
0x86: {  	_ =	shalt  }
0x87: {  	_ =	shalt  }
.Lfunc_end0:
.L_simem_size_0:
called_computation_lowered:
.L_overlay_start_0:
0x88: {  	s2 =	sld [smem:$0x3FD9]  }
0x89: {  	s3 =	sld [smem:$0x3FFE];
	_ =	sdelay $0x1  }
0x8a: {  	s1 =	srdreg.scid  }
0x8b: {  	s0 =	sand.u32 $0x1, s1  }
0x8c: {  	s18 =	sshll.u32 s0, $0xA;
	s2 =	sadd.s32 s3, s2  }
0x8d: {  	s2 =	sadd.s32 s2, s18  }
0x8e: {  	[smem:$0x3FC7] =	sst s2  }
0x8f: {  	_ = 	snop  }
0x90: {  	s2 =	sld [smem:$0x3FC9]  }
0x91: {  	s19 =	sld [smem:$0x3FD0];
	(tm) =	ssettm $0x1  }
0x92: {  	s4 =	sld [smem:$0x3FFB];
	_ =	sdelay $0x3  }
0x93: {  	_ =	strace s4  }
0x94: {  	s4 =	sld [smem:$0x3FFC];
	_ =	sdelay $0x3  }
0x95: {  	_ =	strace s4  }
0x96: {  	s4 =	sld [smem:$0x3FFD];
	_ =	sdelay $0x3  }
0x97: {  	_ =	strace s4  }
0x98: {  	_ =	strace $0x8FFFFFFF  }
0x99: {  	s20 =	sld [smem:$0x3FDB];
	_ =	sdelay $0x1  }
0x9a: {  	s5 =	simm.s32 $_scs_section_size  }
0x9b: {  	s6 =	simm.s32 $_size__tile_overlayer_lowered;
	s7 =	simm.s32 $_tile_overlayer_lowered  }
0x9c: {  	s23 =	simm.s32 $0x1BFF;
	s22 =	sshll.u32 s7, $0x1;
	s4 =	sadd.s32 s5, s20  }
0x9d: {  	s8 =	simm.s32 $0x0;
	s21 =	sshll.u32 s6, $0x1;
	s6 =	sadd.s32 s22, s4  }
0x9e: {  	[timem:s8], [sflag:s23] =	dma.local [hbm:s6], s21  }
0x9f: {  	_ =	swait.ge [sflag:s23], s21  }
0xa0: {  	s5 =	ssub.s32 $0x0, s21;
	[sflag:s23] =	ssyncset.done $0x0  }
0xa1: {  	[sflag:s23] =	ssyncadd.s32 s5;
	_ =	sdelay $0x1  }
0xa2: {  	s24 =	simm.s32 $0x1B8B  }
0xa3: {  	_ =	swait.ge [sflag:s24], $0x1  }
0xa4: {  	[sflag:s24] =	ssyncset.done $0x0  }
0xa5: {  	s25 =	simm.s32 $0x1B8E;
	[sflag:s24] =	ssyncadd.s32 $0xFFFFFFFF  }
0xa6: {  	s26 =	simm.s32 $execute0_lowered;
	[smem:$0x3FD2] =	sst s25  }
0xa7: {  	s5 =	sshll.u32 s26, $0x1;
	_ =	strace $0x80000046;
	[dreg:$0x1] =	wrdreg $0xFFFFFFFF  }
0xa8: {  	s28 =	simm.s32 $_size_execute0_lowered;
	s4 =	sadd.s32 s4, s5;
	[dreg:$0x0] =	wrdreg $0x0  }
0xa9: {  	s5 =	sshll.u32 s28, $0x1;
	[dreg:$0x2] =	wrdreg s4  }
0xaa: {  	[dreg:$0x3] =	wrdreg s5  }
0xab: {  	[dreg:$0x4] =	wrdreg $0xC0  }
0xac: {  	_ =	task [dreg:s8], $0x5FFFF  }
0xad: {  	[dreg:$0x1] =	wrdreg $0xFFFFFFFF  }
0xae: {  	[dreg:$0x0] =	wrdreg $0x60  }
0xaf: {  	[dreg:$0x2] =	wrdreg s2  }
0xb0: {  	[dreg:$0x3] =	wrdreg s19  }
0xb1: {  	[dreg:$0x4] =	wrdreg $0x9  }
0xb2: {  	_ =	task.clear_ibuf [dreg:s8], $0x5FFFF;
	_ =	strace $0x90000046  }
0xb3: {  	s29 =	simm.s32 $0x9;
	_ =	strace $0x80000048  }
0xb4: {  	_ =	swait.ge [sflag:s29], $0x1  }
0xb5: {  	[sflag:s29] =	ssyncadd.s32 $0xFFFFFFFF  }
0xb6: {  	_ =	strace $0x90000048  }
0xb7: {  	_ =	sfence  }
0xb8: {  	s30 =	sld [smem:$0x0];
	_ =	sdelay $0x2  }
0xb9: {  	s31 =	sshll.u32 s1, $0xD;
	s1 =	sshrl.u32 s1, $0x2  }
0xba: {  	s3 =	sand.u32 $0x4000, s31;
	s1 =	sadd.s32 s1, s30  }
0xbb: {  	s0 =	sor.u32 s3, s0;
	s1 =	sshll.u32 s1, $0x11  }
0xbc: {  	s0 =	sor.u32 s1, s0  }
0xbd: {  	s0 =	sadd.s32 $0x8F2B, s0  }
0xbe: {  	[sflag:s0] =	ssyncadd.remote.s32 $0x1  }
0xbf: {  	_ =	sfence.sel $0xFFFF  }
0xc0: {  	[dreg:$0x0] =	wrdreg $0xFFFFFFFF;
	(pc) =	sbr.abs _section_cstart, $3  }
0xc1: {  	[dreg:$0x1] =	wrdreg $0xFFFFFFFF  }
0xc2: {  	_ =	task.clear_ibuf [dreg:s8], $0x2FFFF;
	_ =	strace $0x9FFFFFFF  }
0xc3: {  	(tm) =	ssettm $0x7FFFFFFF  }
tec
execute0_lowered:
.L_overlay_start_1:
0x0: {  	(tag) =	ssettag $0x1  }
0x1: {  	s3 =	rddreg [dreg:$0x0]  }
0x2: {  	s4 =	rddreg [dreg:$0x1];
	s2 =	srdreg.scid  }
0x3: {  	s0 =	rddreg [dreg:$0x2];
	s1 =	stileid.u32;
	s9 =	simm.s32 $0x800000  }
0x4: {  	s10 =	simm.s32 $0x0;
	s5 =	sand.u32 $0x1, s2;
	s2 =	simm.s32 $0x0  }
0x5: {  	s6 =	sshll.u32 s1, $0x10;
	s7 =	sshll.u32 s5, $0xF;
	[smem:$0x7FF] =	sst s2  }
0x6: {  	s5 =	ssub.s32 $0x2, s5;
	s6 =	sor.u32 s7, s6;
	_ =	strace $0x80000047  }
0x7: {  	s31 =	sshrl.u32 s5, $0x1;
	s7 =	simm.s32 $0x8000;
	s8 =	sshrl.u32 s6, $0x3  }
0x8: {  	v1 =	vimm.f32 $1.000000000e+00;
	s5 =	ssub.s32 s5, s31;
	s4 =	sadd.s32 s4, s6;
	s6 =	simm.s32 $0x1  }
0x9: {  	v0 =	vimm.f32 $0.0e+00;
	v2 =	vlaneseq.u32;
	v1 =	vand.u32 $0x7FFFFFFF, v1;
	s3 =	sadd.s32 s3, s8;
	s5 =	smax.u32 s5, $0x1;
	s8 =	simm.s32 $0x1000  }
.LBB2_1:
0xa: {  	[tilespmem:s2], [sflag:$0x1] =	stream.linear.gather [hbm4b:s3+s2], $0x8000, $0x38;
	[tilespmem:$0x10000] =	vst v63  }
0xb: {  	_ =	swait.ge [sflag:s6], $0x8000  }
0xc: {  	[sflag:s6] =	ssyncset.done $0x0  }
0xd: {  	s11 =	simm.s32 $0x0;
	[sflag:s6] =	ssyncadd.s32 $0xFFFF8000  }
.LBB2_2:
0xe: {  	s12 =	simm.s32 $0x0  }
0xf: {  	s13 =	sand.u32 $0x7000, s12;
	s12 =	sand.u32 $0x380, s12  }
0x10: {  	s12 =	sor.u32 s12, s13  }
0x11: {  	[tilespmem:s12+$0x8C70] =	vst v0  }
0x12: {  	[tilespmem:s12+$0x8000] =	vst v0  }
0x13: {  	[tilespmem:s12+$0x8010] =	vst v0  }
0x14: {  	[tilespmem:s12+$0x8020] =	vst v0  }
0x15: {  	[tilespmem:s12+$0x8030] =	vst v0  }
0x16: {  	[tilespmem:s12+$0x8040] =	vst v0  }
0x17: {  	[tilespmem:s12+$0x8050] =	vst v0  }
0x18: {  	[tilespmem:s12+$0x8060] =	vst v0  }
0x19: {  	[tilespmem:s12+$0x8070] =	vst v0  }
0x1a: {  	[tilespmem:s12+$0x8400] =	vst v0  }
0x1b: {  	[tilespmem:s12+$0x8410] =	vst v0  }
0x1c: {  	[tilespmem:s12+$0x8420] =	vst v0  }
0x1d: {  	[tilespmem:s12+$0x8430] =	vst v0  }
0x1e: {  	[tilespmem:s12+$0x8440] =	vst v0  }
0x1f: {  	[tilespmem:s12+$0x8450] =	vst v0  }
0x20: {  	[tilespmem:s12+$0x8460] =	vst v0  }
0x21: {  	[tilespmem:s12+$0x8470] =	vst v0  }
0x22: {  	[tilespmem:s12+$0x8800] =	vst v0  }
0x23: {  	[tilespmem:s12+$0x8810] =	vst v0  }
0x24: {  	[tilespmem:s12+$0x8820] =	vst v0  }
0x25: {  	[tilespmem:s12+$0x8830] =	vst v0  }
0x26: {  	[tilespmem:s12+$0x8840] =	vst v0  }
0x27: {  	[tilespmem:s12+$0x8850] =	vst v0  }
0x28: {  	[tilespmem:s12+$0x8860] =	vst v0  }
0x29: {  	[tilespmem:s12+$0x8870] =	vst v0  }
0x2a: {  	[tilespmem:s12+$0x8C00] =	vst v0  }
0x2b: {  	[tilespmem:s12+$0x8C10] =	vst v0  }
0x2c: {  	[tilespmem:s12+$0x8C20] =	vst v0  }
0x2d: {  	[tilespmem:s12+$0x8C30] =	vst v0  }
0x2e: {  	s14 =	simm.s32 $0x200;
	s13 =	simm.s32 $0x80;
	[tilespmem:s12+$0x8C40] =	vst v0  }
0x2f: {  	s15 =	sand.u32 $0x7000, s14;
	s14 =	simm.s32 $0x400;
	s16 =	sand.u32 $0x380, s13;
	[tilespmem:s12+$0x8C50] =	vst v0  }
.LBB2_3:
0x30: {  	p0 =	seq.s32 s14, $0x7800;
	[tilespmem:s12+$0x8C60] =	vst v0;
	s12 =	sor.u32 s16, s15  }
0x31: {  	[tilespmem:s12+$0x8C70] =	vst v0  }
0x32: {  	[tilespmem:s12+$0x8000] =	vst v0  }
0x33: {  	[tilespmem:s12+$0x8010] =	vst v0  }
0x34: {  	[tilespmem:s12+$0x8020] =	vst v0  }
0x35: {  	[tilespmem:s12+$0x8030] =	vst v0  }
0x36: {  	[tilespmem:s12+$0x8040] =	vst v0  }
0x37: {  	[tilespmem:s12+$0x8050] =	vst v0  }
0x38: {  	[tilespmem:s12+$0x8060] =	vst v0  }
0x39: {  	[tilespmem:s12+$0x8070] =	vst v0  }
0x3a: {  	[tilespmem:s12+$0x8400] =	vst v0  }
0x3b: {  	[tilespmem:s12+$0x8410] =	vst v0  }
0x3c: {  	[tilespmem:s12+$0x8420] =	vst v0  }
0x3d: {  	[tilespmem:s12+$0x8430] =	vst v0  }
0x3e: {  	[tilespmem:s12+$0x8440] =	vst v0  }
0x3f: {  	[tilespmem:s12+$0x8450] =	vst v0  }
0x40: {  	[tilespmem:s12+$0x8460] =	vst v0  }
0x41: {  	[tilespmem:s12+$0x8470] =	vst v0  }
0x42: {  	[tilespmem:s12+$0x8800] =	vst v0  }
0x43: {  	[tilespmem:s12+$0x8810] =	vst v0  }
0x44: {  	[tilespmem:s12+$0x8820] =	vst v0  }
0x45: {  	[tilespmem:s12+$0x8830] =	vst v0  }
0x46: {  	[tilespmem:s12+$0x8840] =	vst v0  }
0x47: {  	[tilespmem:s12+$0x8850] =	vst v0  }
0x48: {  	[tilespmem:s12+$0x8860] =	vst v0  }
0x49: {  	[tilespmem:s12+$0x8870] =	vst v0  }
0x4a: {  	[tilespmem:s12+$0x8C00] =	vst v0  }
.Ltmp0:
0x4b: {  	[tilespmem:s12+$0x8C10] =	vst v0;
	(pc) =	sbr.rel @!p0 .LBB2_3-.Ltmp0, $4  }
0x4c: {  	[tilespmem:s12+$0x8C20] =	vst v0  }
0x4d: {  	[tilespmem:s12+$0x8C30] =	vst v0  }
0x4e: {  	s13 =	sadd.s32 $0x80, s13;
	[tilespmem:s12+$0x8C40] =	vst v0  }
0x4f: {  	s15 =	sand.u32 $0x7000, s14;
	s14 =	sadd.s32 $0x200, s14;
	s16 =	sand.u32 $0x380, s13;
	[tilespmem:s12+$0x8C50] =	vst v0  }
0x50: {  	s13 =	sor.u32 s16, s15;
	[tilespmem:s12+$0x8C60] =	vst v0  }
0x51: {  	[tilespmem:s13+$0x8C70] =	vst v0  }
0x52: {  	[tilespmem:s13+$0x8000] =	vst v0  }
0x53: {  	[tilespmem:s13+$0x8010] =	vst v0  }
0x54: {  	[tilespmem:s13+$0x8020] =	vst v0  }
0x55: {  	[tilespmem:s13+$0x8030] =	vst v0  }
0x56: {  	[tilespmem:s13+$0x8040] =	vst v0  }
0x57: {  	[tilespmem:s13+$0x8050] =	vst v0  }
0x58: {  	[tilespmem:s13+$0x8060] =	vst v0  }
0x59: {  	[tilespmem:s13+$0x8070] =	vst v0  }
0x5a: {  	[tilespmem:s13+$0x8400] =	vst v0  }
0x5b: {  	[tilespmem:s13+$0x8410] =	vst v0  }
0x5c: {  	[tilespmem:s13+$0x8420] =	vst v0  }
0x5d: {  	[tilespmem:s13+$0x8430] =	vst v0  }
0x5e: {  	[tilespmem:s13+$0x8440] =	vst v0  }
0x5f: {  	[tilespmem:s13+$0x8450] =	vst v0  }
0x60: {  	[tilespmem:s13+$0x8460] =	vst v0  }
0x61: {  	[tilespmem:s13+$0x8470] =	vst v0  }
0x62: {  	[tilespmem:s13+$0x8800] =	vst v0  }
0x63: {  	[tilespmem:s13+$0x8810] =	vst v0  }
0x64: {  	[tilespmem:s13+$0x8820] =	vst v0  }
0x65: {  	[tilespmem:s13+$0x8830] =	vst v0  }
0x66: {  	[tilespmem:s13+$0x8840] =	vst v0  }
0x67: {  	[tilespmem:s13+$0x8850] =	vst v0  }
0x68: {  	[tilespmem:s13+$0x8860] =	vst v0  }
0x69: {  	[tilespmem:s13+$0x8870] =	vst v0  }
0x6a: {  	[tilespmem:s13+$0x8C00] =	vst v0  }
0x6b: {  	[tilespmem:s13+$0x8C10] =	vst v0  }
0x6c: {  	[tilespmem:s13+$0x8C20] =	vst v0  }
0x6d: {  	[tilespmem:s13+$0x8C30] =	vst v0  }
0x6e: {  	[tilespmem:s13+$0x8C40] =	vst v0  }
0x6f: {  	s12 =	sshll.u32 s11, $0x9;
	s14 =	simm.s32 $0x0;
	[tilespmem:s13+$0x8C50] =	vst v0  }
0x70: {  	[tilespmem:s13+$0x8C60] =	vst v0;
	s13 =	sand.u32 $0x3FFFFE00, s12;
	s30 =	sand.u32 $0x180, s14  }
0x71: {  	s31 =	sand.u32 $0x70, s14;
	s15 =	sadd.s32 s30, s13  }
0x72: {  	s15 =	sadd.s32 s31, s15  }
0x73: {  	v3 =	vld [tilespmem:s15+$0x0];
	_ =	sdelay $0x4  }
0x74: {  	v4 =	vand.u32 $0x7FFFFFFF, v3  }
0x75: {  	v4 =	vadd.f32 $1.000000000e+00, v4;
	_ =	sdelay $0x1  }
0x76: {  	v5 =	vshra.s32 v4, $0x1;
	v6 =	vmul.f32 $5.000000000e-01, v4  }
0x77: {  	v5 =	vsub.s32 $0x5F3759DF, v5  }
0x78: {  	v7 =	vmul.f32 v5, v6;
	_ =	sdelay $0x1  }
0x79: {  	v7 =	vmul.f32 v5, v7;
	_ =	sdelay $0x1  }
0x7a: {  	v7 =	vsub.f32 $1.500000000e+00, v7;
	_ =	sdelay $0x1  }
0x7b: {  	v5 =	vmul.f32 v5, v7;
	_ =	sdelay $0x1  }
0x7c: {  	v7 =	vmul.f32 v5, v6;
	_ =	sdelay $0x1  }
0x7d: {  	v7 =	vmul.f32 v7, v5;
	_ =	sdelay $0x1  }
0x7e: {  	v7 =	vsub.f32 $1.500000000e+00, v7;
	_ =	sdelay $0x1  }
0x7f: {  	v5 =	vmul.f32 v7, v5;
	_ =	sdelay $0x1  }
0x80: {  	v6 =	vmul.f32 v5, v6;
	_ =	sdelay $0x1  }
0x81: {  	v6 =	vmul.f32 v6, v5;
	_ =	sdelay $0x1  }
0x82: {  	v6 =	vsub.f32 $1.500000000e+00, v6;
	_ =	sdelay $0x1  }
0x83: {  	v5 =	vmul.f32 v6, v5;
	_ =	sdelay $0x1  }
0x84: {  	v4 =	vmul.f32 v5, v4  }
0x85: {  	vm0 =	vlt.f32 v3, $0.0e+00;
	vm1 =	vgt.f32 v3, $0.0e+00;
	v5 =	vand.u32 $0x80000000, v3  }
0x86: {  	vm0 =	vmor vm1, vm0;
	v5 =	vor.u32 v5, v1;
	v4 =	vadd.f32 $-1.000000000e+00, v4  }
0x87: {  	v5 =	vsel vm0, v5, v3  }
0x88: {  	v3 =	vmul.f32 $1.000000050e-03, v3;
	v4 =	vmul.f32 v4, v5;
	_ =	sdelay $0x1  }
0x89: {  	v3 =	vadd.f32 v4, v3;
	_ =	sdelay $0x1  }
0x8a: {  	v3 =	vmax.f32 v3, $-3.000000000e+01  }
0x8b: {  	v3 =	vmin.f32 v3, $3.000000000e+01  }
0x8c: {  	v3 =	vadd.f32 $3.000000000e+01, v3;
	_ =	sdelay $0x1  }
0x8d: {  	v4 =	vtrunc.f32 v3  }
0x8e: {  	v5 =	vmov s14;
	v6 =	vcvt.f32.s32 v4  }
0x8f: {  	v5 =	vshll.u32 v5, $0x3;
	v4 =	vor.u32 s14, v2  }
0x90: {  	v7 =	vand.u32 $0xC00, v5;
	v4 =	vand.u32 $0x7F, v4;
	v5 =	vshll.u32 v6, $0x9  }
0x91: {  	v8 =	vshll.u32 v6, $0x7;
	v9 =	vadd.s32 $0x1, v6;
	v5 =	vand.u32 $0xFFFFF000, v5  }
0x92: {  	v10 =	vshll.u32 v9, $0x7;
	v8 =	vand.u32 $0x380, v8;
	v9 =	vshll.u32 v9, $0x9  }
0x93: {  	v5 =	vor.u32 v5, v8;
	v8 =	vand.u32 $0xFFFFF000, v9;
	v63 =	vand.u32 $0x380, v10  }
0x94: {  	s14 =	simm.s32 $0x10;
	vm0 =	vlt.s32 v6, $0x3C;
	v5 =	vor.u32 v7, v5;
	v8 =	vor.u32 v8, v63  }
0x95: {  	s18 =	simm.s32 $0x20;
	s15 =	sand.u32 $0x70, s14;
	s17 =	sand.u32 $0x180, s14;
	v6 =	vcvt.s32.f32 v6;
	v5 =	vor.u32 v4, v5;
	v7 =	vor.u32 v7, v8  }
.LBB2_5:
0x96: {  	s19 =	sand.u32 $0x70, s18  }
0x97: {  	s20 =	sadd.s32 s17, s13;
	v3 =	vsub.f32 v3, v6;
	v4 =	vor.u32 v4, v7;
	s17 =	smov.u32 s18;
	s16 =	sadd.s32 $0x10, s18  }
0x98: {  	p0 =	sne.s32 s18, $0x1F0;
	s18 =	sadd.s32 s15, s20;
	s15 =	smov.u32 s19  }
0x99: {  	v6 =	vsub.f32 $1.000000000e+00, v3;
	_ =	sdelay $0x1  }
0x9a: {  	[tilespmem:v5+s7+$0x0] =	vst.idx.msk $0xffff, v6  }
0x9b: {  	[tilespmem:v4+s7+$0x0] =	vst.idx.msk vm0, v3  }
0x9c: {  	v3 =	vld [tilespmem:s18+$0x0];
	_ =	sdelay $0x4  }
0x9d: {  	v4 =	vand.u32 $0x7FFFFFFF, v3;
	vm0 =	vlt.f32 v3, $0.0e+00;
	vm1 =	vgt.f32 v3, $0.0e+00  }
0x9e: {  	v4 =	vadd.f32 $1.000000000e+00, v4;
	vm0 =	vmor vm1, vm0;
	_ =	sdelay $0x1  }
0x9f: {  	v5 =	vshra.s32 v4, $0x1;
	v6 =	vmul.f32 $5.000000000e-01, v4  }
0xa0: {  	v5 =	vsub.s32 $0x5F3759DF, v5  }
0xa1: {  	v7 =	vmul.f32 v5, v6;
	_ =	sdelay $0x1  }
0xa2: {  	v7 =	vmul.f32 v5, v7;
	_ =	sdelay $0x1  }
0xa3: {  	v7 =	vsub.f32 $1.500000000e+00, v7;
	_ =	sdelay $0x1  }
0xa4: {  	v5 =	vmul.f32 v5, v7;
	_ =	sdelay $0x1  }
0xa5: {  	v7 =	vmul.f32 v5, v6;
	_ =	sdelay $0x1  }
0xa6: {  	v7 =	vmul.f32 v7, v5;
	_ =	sdelay $0x1  }
0xa7: {  	v7 =	vsub.f32 $1.500000000e+00, v7;
	_ =	sdelay $0x1  }
0xa8: {  	v5 =	vmul.f32 v7, v5;
	_ =	sdelay $0x1  }
0xa9: {  	v6 =	vmul.f32 v5, v6;
	_ =	sdelay $0x1  }
0xaa: {  	v6 =	vmul.f32 v6, v5;
	_ =	sdelay $0x1  }
0xab: {  	v6 =	vsub.f32 $1.500000000e+00, v6;
	_ =	sdelay $0x1  }
0xac: {  	v5 =	vmul.f32 v6, v5  }
0xad: {  	v6 =	vand.u32 $0x80000000, v3  }
0xae: {  	v4 =	vmul.f32 v5, v4;
	v5 =	vor.u32 v6, v1;
	v6 =	vmul.f32 $1.000000050e-03, v3  }
0xaf: {  	v3 =	vsel vm0, v5, v3  }
0xb0: {  	v4 =	vadd.f32 $-1.000000000e+00, v4;
	_ =	sdelay $0x1  }
0xb1: {  	v3 =	vmul.f32 v4, v3;
	_ =	sdelay $0x1  }
0xb2: {  	v3 =	vadd.f32 v3, v6;
	_ =	sdelay $0x1  }
0xb3: {  	v3 =	vmax.f32 v3, $-3.000000000e+01  }
0xb4: {  	v3 =	vmin.f32 v3, $3.000000000e+01  }
0xb5: {  	v4 =	vmov s14;
	v3 =	vadd.f32 $3.000000000e+01, v3;
	_ =	sdelay $0x1  }
0xb6: {  	v4 =	vshll.u32 v4, $0x3;
	v6 =	vor.u32 s14, v2;
	s14 =	smov.u32 s17;
	v5 =	vtrunc.f32 v3  }
0xb7: {  	v7 =	vand.u32 $0xC00, v4;
	v5 =	vcvt.f32.s32 v5;
	_ =	sdelay $0x1  }
0xb8: {  	v8 =	vshll.u32 v5, $0x9;
	v9 =	vshll.u32 v5, $0x7;
	v10 =	vadd.s32 $0x1, v5  }
.Ltmp1:
0xb9: {  	v4 =	vand.u32 $0x7F, v6;
	v6 =	vand.u32 $0xFFFFF000, v8;
	v8 =	vshll.u32 v10, $0x7;
	(pc) =	sbr.rel @p0 .LBB2_5-.Ltmp1, $4  }
0xba: {  	vm0 =	vlt.s32 v5, $0x3C;
	v9 =	vand.u32 $0x380, v9;
	v10 =	vshll.u32 v10, $0x9  }
0xbb: {  	v9 =	vor.u32 v6, v9;
	v10 =	vand.u32 $0xFFFFF000, v10;
	v8 =	vand.u32 $0x380, v8  }
0xbc: {  	v6 =	vcvt.s32.f32 v5;
	v5 =	vor.u32 v7, v9;
	v8 =	vor.u32 v10, v8  }
0xbd: {  	s18 =	smov.u32 s16;
	s17 =	sand.u32 $0x180, s14;
	v5 =	vor.u32 v4, v5;
	v7 =	vor.u32 v7, v8  }
0xbe: {  	v3 =	vsub.f32 v3, v6;
	v4 =	vor.u32 v4, v7;
	_ =	sdelay $0x1  }
0xbf: {  	v6 =	vsub.f32 $1.000000000e+00, v3;
	_ =	sdelay $0x1  }
0xc0: {  	s13 =	sadd.s32 s17, s13;
	[tilespmem:v5+s7+$0x0] =	vst.idx.msk $0xffff, v6  }
0xc1: {  	s13 =	sadd.s32 s15, s13;
	[tilespmem:v4+s7+$0x0] =	vst.idx.msk vm0, v3  }
0xc2: {  	v3 =	vld [tilespmem:s13+$0x0];
	_ =	sdelay $0x4  }
0xc3: {  	v50 =	vand.u32 $0x7FFFFFFF, v3  }
0xc4: {  	v4 =	vadd.f32 $1.000000000e+00, v50;
	_ =	sdelay $0x1  }
0xc5: {  	v51 =	vshra.s32 v4, $0x1;
	v52 =	vmul.f32 $5.000000000e-01, v4  }
0xc6: {  	v5 =	vsub.s32 $0x5F3759DF, v51  }
0xc7: {  	v53 =	vmul.f32 v5, v52;
	_ =	sdelay $0x1  }
0xc8: {  	v7 =	vmul.f32 v5, v53;
	_ =	sdelay $0x1  }
0xc9: {  	v7 =	vsub.f32 $1.500000000e+00, v7;
	_ =	sdelay $0x1  }
0xca: {  	v5 =	vmul.f32 v5, v7;
	_ =	sdelay $0x1  }
0xcb: {  	v7 =	vmul.f32 v5, v52;
	_ =	sdelay $0x1  }
0xcc: {  	v7 =	vmul.f32 v7, v5;
	_ =	sdelay $0x1  }
0xcd: {  	v7 =	vsub.f32 $1.500000000e+00, v7;
	_ =	sdelay $0x1  }
0xce: {  	v5 =	vmul.f32 v7, v5;
	_ =	sdelay $0x1  }
0xcf: {  	v6 =	vmul.f32 v5, v52;
	_ =	sdelay $0x1  }
0xd0: {  	v6 =	vmul.f32 v6, v5;
	_ =	sdelay $0x1  }
0xd1: {  	v6 =	vsub.f32 $1.500000000e+00, v6;
	_ =	sdelay $0x1  }
0xd2: {  	v5 =	vmul.f32 v6, v5;
	_ =	sdelay $0x1  }
0xd3: {  	v4 =	vmul.f32 v5, v4  }
0xd4: {  	vm14 =	vlt.f32 v3, $0.0e+00;
	vm1 =	vgt.f32 v3, $0.0e+00;
	v54 =	vand.u32 $0x80000000, v3  }
0xd5: {  	vm0 =	vmor vm1, vm14;
	v5 =	vor.u32 v54, v1;
	v4 =	vadd.f32 $-1.000000000e+00, v4  }
0xd6: {  	v5 =	vsel vm0, v5, v3  }
0xd7: {  	v3 =	vmul.f32 $1.000000050e-03, v3;
	v4 =	vmul.f32 v4, v5;
	_ =	sdelay $0x1  }
0xd8: {  	v3 =	vadd.f32 v4, v3;
	_ =	sdelay $0x1  }
0xd9: {  	v3 =	vmax.f32 v3, $-3.000000000e+01  }
0xda: {  	v3 =	vmin.f32 v3, $3.000000000e+01  }
0xdb: {  	v3 =	vadd.f32 $3.000000000e+01, v3;
	_ =	sdelay $0x1  }
0xdc: {  	v55 =	vtrunc.f32 v3  }
0xdd: {  	v56 =	vmov s14;
	v4 =	vcvt.f32.s32 v55  }
0xde: {  	v57 =	vor.u32 s14, v2;
	v5 =	vshll.u32 v56, $0x3  }
0xdf: {  	v6 =	vand.u32 $0x7F, v57;
	v5 =	vand.u32 $0xC00, v5;
	v58 =	vshll.u32 v4, $0x9  }
0xe0: {  	v8 =	vshll.u32 v4, $0x7;
	v9 =	vadd.s32 $0x1, v4;
	v7 =	vand.u32 $0xFFFFF000, v58  }
0xe1: {  	v10 =	vshll.u32 v9, $0x7;
	v8 =	vand.u32 $0x380, v8;
	v9 =	vshll.u32 v9, $0x9  }
0xe2: {  	v7 =	vor.u32 v7, v8;
	v59 =	vand.u32 $0xFFFFF000, v9;
	v60 =	vand.u32 $0x380, v10  }
0xe3: {  	v61 =	vcvt.s32.f32 v4;
	v7 =	vor.u32 v5, v7;
	v8 =	vor.u32 v59, v60  }
0xe4: {  	vm15 =	vlt.s32 v4, $0x3C;
	v62 =	vor.u32 v6, v7;
	v5 =	vor.u32 v5, v8  }
0xe5: {  	v3 =	vsub.f32 v3, v61;
	v5 =	vor.u32 v6, v5;
	_ =	sdelay $0x1  }
0xe6: {  	v63 =	vsub.f32 $1.000000000e+00, v3  }
0xe7: {  	s11 =	sadd.s32 $0x1, s11  }
0xe8: {  	p0 =	sne.s32 s11, $0x40;
	[tilespmem:v62+s7+$0x0] =	vst.idx.msk $0xffff, v63  }
.Ltmp2:
0xe9: {  	s12 =	sadd.s32 s12, s4;
	[tilespmem:v5+s7+$0x0] =	vst.idx.msk vm15, v3;
	(pc) =	sbr.rel @p0 .LBB2_2-.Ltmp2, $4  }
0xea: {  	[hbm4b:s12+s8] =	stream.strided.scatter [tilespmem:s7], [sflag:$0x1], $0x8000, s9, s8, $0x38;
	[tilespmem:$0x10000] =	vst v63  }
0xeb: {  	_ =	swait.ge [sflag:s6], $0x8000  }
0xec: {  	[sflag:s6] =	ssyncset.done $0x0  }
0xed: {  	[sflag:s6] =	ssyncadd.s32 $0xFFFF8000  }
0xee: {  	s10 =	sadd.s32 $0x1, s10  }
0xef: {  	p0 =	sne.s32 s10, s5  }
.Ltmp3:
0xf0: {  	_ = 	snop;
	(pc) =	sbr.rel @p0 .LBB2_1-.Ltmp3, $1  }
0xf1: {  	_ =	sdelay $0x3  }
0xf2: {  	_ =	sfence.sel $0x180000  }
0xf3: {  	[bflag:$0x0] =	sbarrier.arrive $0xFFFF  }
0xf4: {  	p0 =	sne.s32 s1, $0x0;
	_ =	strace $0x90000047  }
0xf5: {  	s0 =	sadd.s32 @!p0 $0x100000, s0;
	[bflag:$0x2] =	sbarrier.arrive $0xFFFF  }
0xf6: {  	[sflag:s0] =	ssyncadd.tile.s32 @!p0 $0x1;
	_ =	shalt  }
.Lfunc_end2:
_tile_overlayer_lowered:
.L_overlay_start_2:
0xf7: {  	(tag) =	ssettag $0x2  }
0xf8: {  	s0 =	rddreg [dreg:$0x0];
	s2 =	stileid.u32  }
0xf9: {  	s1 =	rddreg [dreg:$0x1];
	p0 =	sne.s32 s2, $0x0  }
0xfa: {  	s3 =	rddreg [dreg:$0x2];
	[bflag:$0x3] =	sbarrier.arrive $0xFFFF;
	s2 =	simm.s32 @!p0 $0x1C01  }
0xfb: {  	[timem:s3], [sflag:s2] =	dma.local @!p0 [hbm:s0], s1  }
0xfc: {  	s0 =	simm.s32 @!p0 $0x1  }
0xfd: {  	_ =	swait.ge @!p0 [sflag:s0], s1  }
0xfe: {  	s1 =	ssub.s32 @!p0 $0x0, s1;
	[sflag:s0] =	ssyncset.done @!p0 $0x0  }
0xff: {  	[sflag:s0] =	ssyncadd.s32 @!p0 s1  }
0x100: {  	[bflag:$0x3] =	sbarrier.arrive $0xFFFF  }
0x101: {  	_ =	shalt  }

</sc_bundles>
